<compile_context>
chip_gen: v7x
topology: tpu7x:2x2x1
jax: 0.10.2.dev20260603
libtpu: 0.0.44.dev20260713+nightly
codegen_flags: <defaults>
</compile_context>

<pallas_src>
import dataclasses
import functools

import jax
import jax.numpy as jnp
from jax import lax
from jax.experimental import pallas as pl
from jax.experimental.pallas import tpu as pltpu
from jax.experimental.pallas import tpu_sc as plsc

DZ = 0.5
NS = 64
L = 16
NB = 8
UNROLL = 8


def kernel(xyz1, xyz2):
    b, _, n = xyz1.shape
    m = xyz2.shape[2]
    bm = b * m
    nblocks = m // NB

    mesh = plsc.VectorSubcoreMesh(core_axis_name="c", subcore_axis_name="s")
    cp = pltpu.CompilerParams()
    if "needs_layout_passes" in pltpu.CompilerParams.__dataclass_fields__:
        cp = dataclasses.replace(cp, needs_layout_passes=False)

    @functools.partial(
        pl.kernel,
        mesh=mesh,
        compiler_params=cp,
        out_type=(
            jax.ShapeDtypeStruct((b, m, NS), jnp.int32),
            jax.ShapeDtypeStruct((b, m), jnp.int32),
        ),
        scratch_types=[
            pltpu.VMEM((1, n), jnp.float32),
            pltpu.VMEM((1, m), jnp.float32),
            pltpu.VMEM((NB, NS), jnp.int32),
            pltpu.VMEM((NB,), jnp.int32),
            pltpu.VMEM((NS + UNROLL * L,), jnp.int32),
            pltpu.SMEM((1,), jnp.int32),
        ],
    )
    def qdp(xyz1_hbm, xyz2_hbm, idx_hbm, cnt_hbm,
            z1_v, z2_v, out_v, cnt_v, buf_v, ctr_s):
        batch = lax.axis_index("c")
        sid = lax.axis_index("s")

        pltpu.sync_copy(xyz1_hbm.at[batch, pl.ds(2, 1), :], z1_v)
        pltpu.sync_copy(xyz2_hbm.at[batch, pl.ds(2, 1), :], z2_v)

        @pl.when(sid == 0)
        def _():
            ctr_s[0] = 0

        plsc.subcore_barrier()

        lanes = lax.iota(jnp.int32, L)
        zvec16 = jnp.zeros((L,), jnp.int32)

        def process_block(blk):
            @pl.loop(0, NB)
            def per_query(r):
                q = blk * NB + r
                z2q = plsc.load_gather(z2_v, [zvec16, zvec16 + q])

                def cond(carry):
                    k, cs = carry
                    return jnp.logical_and(k < n, cs < NS)

                def body(carry):
                    k, cs = carry
                    zs = [z1_v[0, pl.ds(k + u * L, L)] for u in range(UNROLL)]
                    masks = [jnp.abs(zc - z2q) < DZ for zc in zs]
                    pops = [plsc.all_reduce_population_count(mk)[0] for mk in masks]
                    offs = [cs]
                    for u in range(UNROLL):
                        offs.append(offs[u] + pops[u])
                    for u in range(UNROLL):
                        plsc.store_compressed(
                            buf_v.at[pl.ds(offs[u], L)], k + (u * L) + lanes,
                            mask=masks[u])
                    return k + UNROLL * L, offs[UNROLL]

                _, cs = lax.while_loop(cond, body, (jnp.int32(0), jnp.int32(0)))

                datas = [buf_v[pl.ds(j * L, L)] for j in range(NS // L)]
                first_s = datas[0][0]
                collv = jnp.full((L,), cs, jnp.int32)
                firstv = jnp.where(collv > 0, jnp.full((L,), first_s, jnp.int32), 0)
                for j in range(NS // L):
                    outv = jnp.where(lanes + (j * L) < collv, datas[j], firstv)
                    out_v[r, pl.ds(j * L, L)] = outv
                pts = jnp.full((L,), jnp.minimum(cs, NS), jnp.int32)
                plsc.store_scatter(cnt_v, [zvec16 + r], pts, mask=lanes == 0)

            qoff = blk * NB
            pltpu.sync_copy(out_v, idx_hbm.at[batch, pl.ds(qoff, NB), :])
            pltpu.sync_copy(cnt_v, cnt_hbm.at[batch, pl.ds(qoff, NB)])

        def wcond(blk):
            return blk < nblocks

        def wbody(blk):
            process_block(blk)
            return plsc.fetch_and_add(ctr_s.at[0], 1, subcore_id=0)

        blk0 = plsc.fetch_and_add(ctr_s.at[0], 1, subcore_id=0)
        lax.while_loop(wcond, wbody, blk0)

    idx3d, pts_cnt = qdp(xyz1, xyz2)
    return idx3d.astype(jnp.int64), pts_cnt

# --- scband reference (transcript-rebuilt; emitter-appended) ---
"""Pipeline reference for scband-query-depth-point-40003325395441 (READ-ONLY COPY).

The authoritative reference and input builder live on the scoring server;
editing this copy changes nothing except your own understanding.
"""

import jax, jax.numpy as jnp
import numpy as np

DIS_Z = 0.5
NSAMPLE = 64


def _query_depth_point(xyz1, xyz2, dis_z, nsample):
    # xyz1: (b, 3, n) input points; xyz2: (b, 3, m) query points
    b, _, n = xyz1.shape
    m = xyz2.shape[2]
    z1 = xyz1[:, 2, :]  # (b, n)
    z2 = xyz2[:, 2, :]  # (b, m)
    # CUDA kernel selects, for each query j, the first `nsample` dataset
    # points k (in index order) with |z1[k] - z2[j]| < dis_z. The idx row is
    # pre-filled with the FIRST matching index (zeros if no match), and
    # pts_cnt is the clipped match count.
    mask = jnp.abs(z2[:, :, None] - z1[:, None, :]) < dis_z  # (b, m, n)
    mask2 = mask.reshape(b * m, n)
    cnt_full = mask2.sum(axis=-1)
    pts_cnt = jnp.minimum(cnt_full, nsample).astype(jnp.int32).reshape(b, m)
    pos = jnp.cumsum(mask2.astype(jnp.int32), axis=-1) - 1  # slot for each selected pt
    valid = mask2 & (pos < nsample)
    scatter_pos = jnp.where(valid, pos, nsample)  # invalid -> dump column
    has_any = mask2.any(axis=-1)
    first_idx = jnp.where(has_any, jnp.argmax(mask2, axis=-1), 0)
    idx_buf = jnp.broadcast_to(first_idx[:, None], (b * m, nsample + 1))
    rows = jnp.broadcast_to(jnp.arange(b * m)[:, None], (b * m, n))
    kcols = jnp.broadcast_to(jnp.arange(n)[None, :], (b * m, n))
    idx_buf = idx_buf.at[rows, scatter_pos].set(kcols)
    idx = idx_buf[:, :nsample].astype(jnp.int64).reshape(b, m, nsample)
    return idx, pts_cnt


def setup_inputs(seed: int = 0) -> dict:
    key = jax.random.key(seed)
    k1, k2 = jax.random.split(key)
    xyz1 = jax.random.normal(k1, (2, 3, 8192), dtype=jnp.float32)
    xyz2 = jax.random.normal(k2, (2, 3, 2048), dtype=jnp.float32)
    return {"xyz1": xyz1, "xyz2": xyz2}


def reference(xyz1, xyz2):
    return _query_depth_point(xyz1, xyz2, DIS_Z, NSAMPLE)

if __name__ == "__main__":
    import jax
    _d = setup_inputs()
    print(jax.jit(kernel)(*tuple(_d.values())))

</pallas_src>

<mosaic_0001>
#map = affine_map<(d0, d1) -> (0, 0, 0)>
#map1 = affine_map<(d0, d1) -> (0, 0)>
module attributes {stable_mosaic.version = 14 : i64} {
  func.func @qdp(%arg0: i32, %arg1: i32, %arg2: memref<2x3x8192xf32, #tpu.memory_space<hbm>>, %arg3: memref<2x3x2048xf32, #tpu.memory_space<hbm>>, %arg4: memref<2x2048x64xi32, #tpu.memory_space<hbm>>, %arg5: memref<2x2048xi32, #tpu.memory_space<hbm>>, %arg6: memref<1x8192xf32, #tpu.memory_space<vmem>>, %arg7: memref<1x2048xf32, #tpu.memory_space<vmem>>, %arg8: memref<8x64xi32, #tpu.memory_space<vmem>>, %arg9: memref<8xi32, #tpu.memory_space<vmem>>, %arg10: memref<192xi32, #tpu.memory_space<vmem>>, %arg11: memref<1xi32, #tpu.memory_space<smem>>) attributes {dimension_semantics = [#tpu.dimension_semantics<core_parallel>, #tpu.dimension_semantics<subcore_parallel>], iteration_bounds = array<i64: 2, 16>, scalar_prefetch = 0 : i64, scratch_operands = 6 : i64, tpu.core_type = #tpu.core_type<sc_vector_subcore>, window_params = [{transform_indices = #map}, {transform_indices = #map}, {transform_indices = #map}, {transform_indices = #map1}]} {
    "tpu.region"() ({
      %run_scoped3A = tpu.sem_alloc : memref<!tpu.dma_semaphore, #tpu.memory_space<semaphore_mem>>
      %dma_start3A = arith.constant 2 : i32
      %dma_start3A_6 = arith.constant 0 : i32
      %dma_start3A_7 = tpu.memref_slice %arg2[%arg0, %dma_start3A, %dma_start3A_6] : memref<2x3x8192xf32, #tpu.memory_space<hbm>> -> memref<1x1x8192xf32, #tpu.memory_space<hbm>>
      %dma_start3A_8 = tpu.memref_squeeze %dma_start3A_7 : memref<1x1x8192xf32, #tpu.memory_space<hbm>> -> memref<1x8192xf32, #tpu.memory_space<hbm>>
      %dma_start3A_9 = arith.constant 2 : i32
      %dma_start3A_10 = arith.constant 0 : i32
      %dma_start3A_11 = tpu.memref_slice %arg2[%arg0, %dma_start3A_9, %dma_start3A_10] : memref<2x3x8192xf32, #tpu.memory_space<hbm>> -> memref<1x1x8192xf32, #tpu.memory_space<hbm>>
      %dma_start3A_12 = tpu.memref_squeeze %dma_start3A_11 : memref<1x1x8192xf32, #tpu.memory_space<hbm>> -> memref<1x8192xf32, #tpu.memory_space<hbm>>
      tpu.enqueue_dma source(%dma_start3A_12 : memref<1x8192xf32, #tpu.memory_space<hbm>>) target(%arg6 : memref<1x8192xf32, #tpu.memory_space<vmem>>) target_semaphore(%run_scoped3A : memref<!tpu.dma_semaphore, #tpu.memory_space<semaphore_mem>>)
      %dma_wait3A = arith.constant 2 : i32
      %dma_wait3A_13 = arith.constant 0 : i32
      %dma_wait3A_14 = tpu.memref_slice %arg2[%arg0, %dma_wait3A, %dma_wait3A_13] : memref<2x3x8192xf32, #tpu.memory_space<hbm>> -> memref<1x1x8192xf32, #tpu.memory_space<hbm>>
      %dma_wait3A_15 = tpu.memref_squeeze %dma_wait3A_14 : memref<1x1x8192xf32, #tpu.memory_space<hbm>> -> memref<1x8192xf32, #tpu.memory_space<hbm>>
      %dma_wait3A_16 = arith.constant 2 : i32
      %dma_wait3A_17 = arith.constant 0 : i32
      %dma_wait3A_18 = tpu.memref_slice %arg2[%arg0, %dma_wait3A_16, %dma_wait3A_17] : memref<2x3x8192xf32, #tpu.memory_space<hbm>> -> memref<1x1x8192xf32, #tpu.memory_space<hbm>>
      %dma_wait3A_19 = tpu.memref_squeeze %dma_wait3A_18 : memref<1x1x8192xf32, #tpu.memory_space<hbm>> -> memref<1x8192xf32, #tpu.memory_space<hbm>>
      tpu.wait_dma2 semaphore(%run_scoped3A : memref<!tpu.dma_semaphore, #tpu.memory_space<semaphore_mem>>) src(%dma_wait3A_19 : memref<1x8192xf32, #tpu.memory_space<hbm>>) dst(%arg6 : memref<1x8192xf32, #tpu.memory_space<vmem>>)
      tpu.yield
    }) : () -> ()
    "tpu.region"() ({
      %run_scoped3A = tpu.sem_alloc : memref<!tpu.dma_semaphore, #tpu.memory_space<semaphore_mem>>
      %dma_start3A = arith.constant 2 : i32
      %dma_start3A_6 = arith.constant 0 : i32
      %dma_start3A_7 = tpu.memref_slice %arg3[%arg0, %dma_start3A, %dma_start3A_6] : memref<2x3x2048xf32, #tpu.memory_space<hbm>> -> memref<1x1x2048xf32, #tpu.memory_space<hbm>>
      %dma_start3A_8 = tpu.memref_squeeze %dma_start3A_7 : memref<1x1x2048xf32, #tpu.memory_space<hbm>> -> memref<1x2048xf32, #tpu.memory_space<hbm>>
      %dma_start3A_9 = arith.constant 2 : i32
      %dma_start3A_10 = arith.constant 0 : i32
      %dma_start3A_11 = tpu.memref_slice %arg3[%arg0, %dma_start3A_9, %dma_start3A_10] : memref<2x3x2048xf32, #tpu.memory_space<hbm>> -> memref<1x1x2048xf32, #tpu.memory_space<hbm>>
      %dma_start3A_12 = tpu.memref_squeeze %dma_start3A_11 : memref<1x1x2048xf32, #tpu.memory_space<hbm>> -> memref<1x2048xf32, #tpu.memory_space<hbm>>
      tpu.enqueue_dma source(%dma_start3A_12 : memref<1x2048xf32, #tpu.memory_space<hbm>>) target(%arg7 : memref<1x2048xf32, #tpu.memory_space<vmem>>) target_semaphore(%run_scoped3A : memref<!tpu.dma_semaphore, #tpu.memory_space<semaphore_mem>>)
      %dma_wait3A = arith.constant 2 : i32
      %dma_wait3A_13 = arith.constant 0 : i32
      %dma_wait3A_14 = tpu.memref_slice %arg3[%arg0, %dma_wait3A, %dma_wait3A_13] : memref<2x3x2048xf32, #tpu.memory_space<hbm>> -> memref<1x1x2048xf32, #tpu.memory_space<hbm>>
      %dma_wait3A_15 = tpu.memref_squeeze %dma_wait3A_14 : memref<1x1x2048xf32, #tpu.memory_space<hbm>> -> memref<1x2048xf32, #tpu.memory_space<hbm>>
      %dma_wait3A_16 = arith.constant 2 : i32
      %dma_wait3A_17 = arith.constant 0 : i32
      %dma_wait3A_18 = tpu.memref_slice %arg3[%arg0, %dma_wait3A_16, %dma_wait3A_17] : memref<2x3x2048xf32, #tpu.memory_space<hbm>> -> memref<1x1x2048xf32, #tpu.memory_space<hbm>>
      %dma_wait3A_19 = tpu.memref_squeeze %dma_wait3A_18 : memref<1x1x2048xf32, #tpu.memory_space<hbm>> -> memref<1x2048xf32, #tpu.memory_space<hbm>>
      tpu.wait_dma2 semaphore(%run_scoped3A : memref<!tpu.dma_semaphore, #tpu.memory_space<semaphore_mem>>) src(%dma_wait3A_19 : memref<1x2048xf32, #tpu.memory_space<hbm>>) dst(%arg7 : memref<1x2048xf32, #tpu.memory_space<vmem>>)
      tpu.yield
    }) : () -> ()
    %eq3A = arith.constant 0 : i32
    %eq3A_0 = arith.cmpi eq, %arg1, %eq3A : i32
    %convert_element_type3A = arith.extui %eq3A_0 : i1 to i32
    %cond3A = arith.constant 0 : i32
    %cond3A_1 = arith.cmpi ne, %convert_element_type3A, %cond3A : i32
    scf.if %cond3A_1 {
      %swap3A = arith.constant 0 : i32
      %swap3A_6 = arith.constant 0 : i32
      %swap3A_7 = arith.index_cast %swap3A_6 : i32 to index
      %swap3A_8 = memref.load %arg11[%swap3A_7] : memref<1xi32, #tpu.memory_space<smem>>
      memref.store %swap3A, %arg11[%swap3A_7] : memref<1xi32, #tpu.memory_space<smem>>
    } else {
    }
    %barrier3A = arith.constant 0 : index
    tpu.barrier barrier_id(%barrier3A)
    %iota3A = tpu.iota {dimensions = array<i32: 0>} : vector<16xi32>
    %broadcast_in_dim3A = arith.constant 0 : i32
    %broadcast_in_dim3A_2 = vector.broadcast %broadcast_in_dim3A : i32 to vector<16xi32>
    %sc_fetch_and_add3A = arith.constant 1 : i32
    %sc_fetch_and_add3A_3 = arith.constant 0 : i32
    %sc_fetch_and_add3A_4 = arith.constant 0 : i32
    %sc_fetch_and_add3A_5 = tpu.fetch_and_add_sync %arg11[%sc_fetch_and_add3A_3], %sc_fetch_and_add3A, %sc_fetch_and_add3A_4 : memref<1xi32, #tpu.memory_space<smem>>, i32 -> i32
    %while3A = scf.while (%while3A_6 = %sc_fetch_and_add3A_5) : (i32) -> i32 {
      %lt3A = arith.constant 256 : i32
      %lt3A_7 = arith.cmpi slt, %while3A_6, %lt3A : i32
      scf.condition(%lt3A_7) %while3A_6 : i32
    } do {
    ^bb0(%while3A_6: i32):
      %scan3A = arith.constant 0 : i32
      %scan3A_7 = arith.constant 8 : i32
      %scan3A_8 = arith.addi %scan3A, %scan3A_7 : i32
      %scan3A_9 = arith.constant 1 : i32
      scf.for %scan3A_16 = %scan3A to %scan3A_8 step %scan3A_9  : i32 {
        %mul3A_17 = arith.constant 1 : i32
        %mul3A_18 = arith.muli %scan3A_16, %mul3A_17 : i32
        %add3A = arith.constant 0 : i32
        %add3A_19 = arith.addi %add3A, %mul3A_18 : i32
        %mul3A_20 = arith.constant 8 : i32
        %mul3A_21 = arith.muli %while3A_6, %mul3A_20 : i32
        %add3A_22 = arith.addi %mul3A_21, %add3A_19 : i32
        %add3A_23 = vector.broadcast %add3A_22 : i32 to vector<16xi32>
        %add3A_24 = arith.addi %broadcast_in_dim3A_2, %add3A_23 : vector<16xi32>
        %gather3A = tpu.vector_load_idx %arg7[%broadcast_in_dim3A_2, %add3A_24] : memref<1x2048xf32, #tpu.memory_space<vmem>>[vector<16xi32>, vector<16xi32>], vector<16xf32>,
        %while3A_25 = arith.constant 0 : i32
        %while3A_26 = arith.constant 0 : i32
        %while3A_27:2 = scf.while (%while3A_77 = %while3A_25, %while3A_78 = %while3A_26) : (i32, i32) -> (i32, i32) {
          %lt3A_79 = arith.constant 8192 : i32
          %lt3A_80 = arith.cmpi slt, %while3A_77, %lt3A_79 : i32
          %lt3A_81 = arith.constant 64 : i32
          %lt3A_82 = arith.cmpi slt, %while3A_78, %lt3A_81 : i32
          %and3A = arith.andi %lt3A_80, %lt3A_82 : i1
          scf.condition(%and3A) %while3A_77, %while3A_78 : i32, i32
        } do {
        ^bb0(%while3A_77: i32, %while3A_78: i32):
          %add3A_79 = arith.constant 0 : i32
          %add3A_80 = arith.addi %while3A_77, %add3A_79 : i32
          %get3A_81 = arith.constant 0 : i32
          %get3A_82 = arith.index_cast %get3A_81 : i32 to index
          %get3A_83 = arith.index_cast %add3A_80 : i32 to index
          %get3A_84 = tpu.vector_load %arg6[%get3A_82, %get3A_83] {strides = array<i32>} : memref<1x8192xf32, #tpu.memory_space<vmem>>, vector<16xf32>,
          %add3A_85 = arith.constant 16 : i32
          %add3A_86 = arith.addi %while3A_77, %add3A_85 : i32
          %get3A_87 = arith.constant 0 : i32
          %get3A_88 = arith.index_cast %get3A_87 : i32 to index
          %get3A_89 = arith.index_cast %add3A_86 : i32 to index
          %get3A_90 = tpu.vector_load %arg6[%get3A_88, %get3A_89] {strides = array<i32>} : memref<1x8192xf32, #tpu.memory_space<vmem>>, vector<16xf32>,
          %add3A_91 = arith.constant 32 : i32
          %add3A_92 = arith.addi %while3A_77, %add3A_91 : i32
          %get3A_93 = arith.constant 0 : i32
          %get3A_94 = arith.index_cast %get3A_93 : i32 to index
          %get3A_95 = arith.index_cast %add3A_92 : i32 to index
          %get3A_96 = tpu.vector_load %arg6[%get3A_94, %get3A_95] {strides = array<i32>} : memref<1x8192xf32, #tpu.memory_space<vmem>>, vector<16xf32>,
          %add3A_97 = arith.constant 48 : i32
          %add3A_98 = arith.addi %while3A_77, %add3A_97 : i32
          %get3A_99 = arith.constant 0 : i32
          %get3A_100 = arith.index_cast %get3A_99 : i32 to index
          %get3A_101 = arith.index_cast %add3A_98 : i32 to index
          %get3A_102 = tpu.vector_load %arg6[%get3A_100, %get3A_101] {strides = array<i32>} : memref<1x8192xf32, #tpu.memory_space<vmem>>, vector<16xf32>,
          %add3A_103 = arith.constant 64 : i32
          %add3A_104 = arith.addi %while3A_77, %add3A_103 : i32
          %get3A_105 = arith.constant 0 : i32
          %get3A_106 = arith.index_cast %get3A_105 : i32 to index
          %get3A_107 = arith.index_cast %add3A_104 : i32 to index
          %get3A_108 = tpu.vector_load %arg6[%get3A_106, %get3A_107] {strides = array<i32>} : memref<1x8192xf32, #tpu.memory_space<vmem>>, vector<16xf32>,
          %add3A_109 = arith.constant 80 : i32
          %add3A_110 = arith.addi %while3A_77, %add3A_109 : i32
          %get3A_111 = arith.constant 0 : i32
          %get3A_112 = arith.index_cast %get3A_111 : i32 to index
          %get3A_113 = arith.index_cast %add3A_110 : i32 to index
          %get3A_114 = tpu.vector_load %arg6[%get3A_112, %get3A_113] {strides = array<i32>} : memref<1x8192xf32, #tpu.memory_space<vmem>>, vector<16xf32>,
          %add3A_115 = arith.constant 96 : i32
          %add3A_116 = arith.addi %while3A_77, %add3A_115 : i32
          %get3A_117 = arith.constant 0 : i32
          %get3A_118 = arith.index_cast %get3A_117 : i32 to index
          %get3A_119 = arith.index_cast %add3A_116 : i32 to index
          %get3A_120 = tpu.vector_load %arg6[%get3A_118, %get3A_119] {strides = array<i32>} : memref<1x8192xf32, #tpu.memory_space<vmem>>, vector<16xf32>,
          %add3A_121 = arith.constant 112 : i32
          %add3A_122 = arith.addi %while3A_77, %add3A_121 : i32
          %get3A_123 = arith.constant 0 : i32
          %get3A_124 = arith.index_cast %get3A_123 : i32 to index
          %get3A_125 = arith.index_cast %add3A_122 : i32 to index
          %get3A_126 = tpu.vector_load %arg6[%get3A_124, %get3A_125] {strides = array<i32>} : memref<1x8192xf32, #tpu.memory_space<vmem>>, vector<16xf32>,
          %sub3A = arith.subf %get3A_84, %gather3A : vector<16xf32>
          %abs3A = math.absf %sub3A : vector<16xf32>
          %lt3A_127 = arith.constant 5.000000e-01 : f32
          %lt3A_128 = vector.broadcast %lt3A_127 : f32 to vector<16xf32>
          %lt3A_129 = arith.cmpf olt, %abs3A, %lt3A_128 : vector<16xf32>
          %sub3A_130 = arith.subf %get3A_90, %gather3A : vector<16xf32>
          %abs3A_131 = math.absf %sub3A_130 : vector<16xf32>
          %lt3A_132 = arith.constant 5.000000e-01 : f32
          %lt3A_133 = vector.broadcast %lt3A_132 : f32 to vector<16xf32>
          %lt3A_134 = arith.cmpf olt, %abs3A_131, %lt3A_133 : vector<16xf32>
          %sub3A_135 = arith.subf %get3A_96, %gather3A : vector<16xf32>
          %abs3A_136 = math.absf %sub3A_135 : vector<16xf32>
          %lt3A_137 = arith.constant 5.000000e-01 : f32
          %lt3A_138 = vector.broadcast %lt3A_137 : f32 to vector<16xf32>
          %lt3A_139 = arith.cmpf olt, %abs3A_136, %lt3A_138 : vector<16xf32>
          %sub3A_140 = arith.subf %get3A_102, %gather3A : vector<16xf32>
          %abs3A_141 = math.absf %sub3A_140 : vector<16xf32>
          %lt3A_142 = arith.constant 5.000000e-01 : f32
          %lt3A_143 = vector.broadcast %lt3A_142 : f32 to vector<16xf32>
          %lt3A_144 = arith.cmpf olt, %abs3A_141, %lt3A_143 : vector<16xf32>
          %sub3A_145 = arith.subf %get3A_108, %gather3A : vector<16xf32>
          %abs3A_146 = math.absf %sub3A_145 : vector<16xf32>
          %lt3A_147 = arith.constant 5.000000e-01 : f32
          %lt3A_148 = vector.broadcast %lt3A_147 : f32 to vector<16xf32>
          %lt3A_149 = arith.cmpf olt, %abs3A_146, %lt3A_148 : vector<16xf32>
          %sub3A_150 = arith.subf %get3A_114, %gather3A : vector<16xf32>
          %abs3A_151 = math.absf %sub3A_150 : vector<16xf32>
          %lt3A_152 = arith.constant 5.000000e-01 : f32
          %lt3A_153 = vector.broadcast %lt3A_152 : f32 to vector<16xf32>
          %lt3A_154 = arith.cmpf olt, %abs3A_151, %lt3A_153 : vector<16xf32>
          %sub3A_155 = arith.subf %get3A_120, %gather3A : vector<16xf32>
          %abs3A_156 = math.absf %sub3A_155 : vector<16xf32>
          %lt3A_157 = arith.constant 5.000000e-01 : f32
          %lt3A_158 = vector.broadcast %lt3A_157 : f32 to vector<16xf32>
          %lt3A_159 = arith.cmpf olt, %abs3A_156, %lt3A_158 : vector<16xf32>
          %sub3A_160 = arith.subf %get3A_126, %gather3A : vector<16xf32>
          %abs3A_161 = math.absf %sub3A_160 : vector<16xf32>
          %lt3A_162 = arith.constant 5.000000e-01 : f32
          %lt3A_163 = vector.broadcast %lt3A_162 : f32 to vector<16xf32>
          %lt3A_164 = arith.cmpf olt, %abs3A_161, %lt3A_163 : vector<16xf32>
          %all_reduce_population_count3A = tpu.all_reduce %lt3A_129 {dim = 0 : i64, kind = #tpu.reduction_kind<sum>} : vector<16xi1> -> vector<16xi32>
          %slice3A_165 = vector.extract_strided_slice %all_reduce_population_count3A {offsets = [0], sizes = [1], strides = [1]} : vector<16xi32> to vector<1xi32>
          %squeeze3A_166 = vector.extract %slice3A_165[0] : i32 from vector<1xi32>
          %all_reduce_population_count3A_167 = tpu.all_reduce %lt3A_134 {dim = 0 : i64, kind = #tpu.reduction_kind<sum>} : vector<16xi1> -> vector<16xi32>
          %slice3A_168 = vector.extract_strided_slice %all_reduce_population_count3A_167 {offsets = [0], sizes = [1], strides = [1]} : vector<16xi32> to vector<1xi32>
          %squeeze3A_169 = vector.extract %slice3A_168[0] : i32 from vector<1xi32>
          %all_reduce_population_count3A_170 = tpu.all_reduce %lt3A_139 {dim = 0 : i64, kind = #tpu.reduction_kind<sum>} : vector<16xi1> -> vector<16xi32>
          %slice3A_171 = vector.extract_strided_slice %all_reduce_population_count3A_170 {offsets = [0], sizes = [1], strides = [1]} : vector<16xi32> to vector<1xi32>
          %squeeze3A_172 = vector.extract %slice3A_171[0] : i32 from vector<1xi32>
          %all_reduce_population_count3A_173 = tpu.all_reduce %lt3A_144 {dim = 0 : i64, kind = #tpu.reduction_kind<sum>} : vector<16xi1> -> vector<16xi32>
          %slice3A_174 = vector.extract_strided_slice %all_reduce_population_count3A_173 {offsets = [0], sizes = [1], strides = [1]} : vector<16xi32> to vector<1xi32>
          %squeeze3A_175 = vector.extract %slice3A_174[0] : i32 from vector<1xi32>
          %all_reduce_population_count3A_176 = tpu.all_reduce %lt3A_149 {dim = 0 : i64, kind = #tpu.reduction_kind<sum>} : vector<16xi1> -> vector<16xi32>
          %slice3A_177 = vector.extract_strided_slice %all_reduce_population_count3A_176 {offsets = [0], sizes = [1], strides = [1]} : vector<16xi32> to vector<1xi32>
          %squeeze3A_178 = vector.extract %slice3A_177[0] : i32 from vector<1xi32>
          %all_reduce_population_count3A_179 = tpu.all_reduce %lt3A_154 {dim = 0 : i64, kind = #tpu.reduction_kind<sum>} : vector<16xi1> -> vector<16xi32>
          %slice3A_180 = vector.extract_strided_slice %all_reduce_population_count3A_179 {offsets = [0], sizes = [1], strides = [1]} : vector<16xi32> to vector<1xi32>
          %squeeze3A_181 = vector.extract %slice3A_180[0] : i32 from vector<1xi32>
          %all_reduce_population_count3A_182 = tpu.all_reduce %lt3A_159 {dim = 0 : i64, kind = #tpu.reduction_kind<sum>} : vector<16xi1> -> vector<16xi32>
          %slice3A_183 = vector.extract_strided_slice %all_reduce_population_count3A_182 {offsets = [0], sizes = [1], strides = [1]} : vector<16xi32> to vector<1xi32>
          %squeeze3A_184 = vector.extract %slice3A_183[0] : i32 from vector<1xi32>
          %all_reduce_population_count3A_185 = tpu.all_reduce %lt3A_164 {dim = 0 : i64, kind = #tpu.reduction_kind<sum>} : vector<16xi1> -> vector<16xi32>
          %slice3A_186 = vector.extract_strided_slice %all_reduce_population_count3A_185 {offsets = [0], sizes = [1], strides = [1]} : vector<16xi32> to vector<1xi32>
          %squeeze3A_187 = vector.extract %slice3A_186[0] : i32 from vector<1xi32>
          %add3A_188 = arith.addi %while3A_78, %squeeze3A_166 : i32
          %add3A_189 = arith.addi %add3A_188, %squeeze3A_169 : i32
          %add3A_190 = arith.addi %add3A_189, %squeeze3A_172 : i32
          %add3A_191 = arith.addi %add3A_190, %squeeze3A_175 : i32
          %add3A_192 = arith.addi %add3A_191, %squeeze3A_178 : i32
          %add3A_193 = arith.addi %add3A_192, %squeeze3A_181 : i32
          %add3A_194 = arith.addi %add3A_193, %squeeze3A_184 : i32
          %add3A_195 = arith.addi %add3A_194, %squeeze3A_187 : i32
          %add3A_196 = arith.constant 0 : i32
          %add3A_197 = arith.addi %while3A_77, %add3A_196 : i32
          %add3A_198 = vector.broadcast %add3A_197 : i32 to vector<16xi32>
          %add3A_199 = arith.addi %add3A_198, %iota3A : vector<16xi32>
          %swap3A_200 = arith.index_cast %while3A_78 : i32 to index
          %swap3A_201 = tpu.vector_load %arg10[%swap3A_200] masked %lt3A_129 {strides = array<i32>} : memref<192xi32, #tpu.memory_space<vmem>>, vector<16xi32>, vector<16xi1>
          tpu.vector_store %arg10[%swap3A_200], %add3A_199 masked %lt3A_129 {strides = array<i32>} : memref<192xi32, #tpu.memory_space<vmem>>, vector<16xi32>, vector<16xi1>
          %add3A_202 = arith.constant 16 : i32
          %add3A_203 = arith.addi %while3A_77, %add3A_202 : i32
          %add3A_204 = vector.broadcast %add3A_203 : i32 to vector<16xi32>
          %add3A_205 = arith.addi %add3A_204, %iota3A : vector<16xi32>
          %swap3A_206 = arith.index_cast %add3A_188 : i32 to index
          %swap3A_207 = tpu.vector_load %arg10[%swap3A_206] masked %lt3A_134 {strides = array<i32>} : memref<192xi32, #tpu.memory_space<vmem>>, vector<16xi32>, vector<16xi1>
          tpu.vector_store %arg10[%swap3A_206], %add3A_205 masked %lt3A_134 {strides = array<i32>} : memref<192xi32, #tpu.memory_space<vmem>>, vector<16xi32>, vector<16xi1>
          %add3A_208 = arith.constant 32 : i32
          %add3A_209 = arith.addi %while3A_77, %add3A_208 : i32
          %add3A_210 = vector.broadcast %add3A_209 : i32 to vector<16xi32>
          %add3A_211 = arith.addi %add3A_210, %iota3A : vector<16xi32>
          %swap3A_212 = arith.index_cast %add3A_189 : i32 to index
          %swap3A_213 = tpu.vector_load %arg10[%swap3A_212] masked %lt3A_139 {strides = array<i32>} : memref<192xi32, #tpu.memory_space<vmem>>, vector<16xi32>, vector<16xi1>
          tpu.vector_store %arg10[%swap3A_212], %add3A_211 masked %lt3A_139 {strides = array<i32>} : memref<192xi32, #tpu.memory_space<vmem>>, vector<16xi32>, vector<16xi1>
          %add3A_214 = arith.constant 48 : i32
          %add3A_215 = arith.addi %while3A_77, %add3A_214 : i32
          %add3A_216 = vector.broadcast %add3A_215 : i32 to vector<16xi32>
          %add3A_217 = arith.addi %add3A_216, %iota3A : vector<16xi32>
          %swap3A_218 = arith.index_cast %add3A_190 : i32 to index
          %swap3A_219 = tpu.vector_load %arg10[%swap3A_218] masked %lt3A_144 {strides = array<i32>} : memref<192xi32, #tpu.memory_space<vmem>>, vector<16xi32>, vector<16xi1>
          tpu.vector_store %arg10[%swap3A_218], %add3A_217 masked %lt3A_144 {strides = array<i32>} : memref<192xi32, #tpu.memory_space<vmem>>, vector<16xi32>, vector<16xi1>
          %add3A_220 = arith.constant 64 : i32
          %add3A_221 = arith.addi %while3A_77, %add3A_220 : i32
          %add3A_222 = vector.broadcast %add3A_221 : i32 to vector<16xi32>
          %add3A_223 = arith.addi %add3A_222, %iota3A : vector<16xi32>
          %swap3A_224 = arith.index_cast %add3A_191 : i32 to index
          %swap3A_225 = tpu.vector_load %arg10[%swap3A_224] masked %lt3A_149 {strides = array<i32>} : memref<192xi32, #tpu.memory_space<vmem>>, vector<16xi32>, vector<16xi1>
          tpu.vector_store %arg10[%swap3A_224], %add3A_223 masked %lt3A_149 {strides = array<i32>} : memref<192xi32, #tpu.memory_space<vmem>>, vector<16xi32>, vector<16xi1>
          %add3A_226 = arith.constant 80 : i32
          %add3A_227 = arith.addi %while3A_77, %add3A_226 : i32
          %add3A_228 = vector.broadcast %add3A_227 : i32 to vector<16xi32>
          %add3A_229 = arith.addi %add3A_228, %iota3A : vector<16xi32>
          %swap3A_230 = arith.index_cast %add3A_192 : i32 to index
          %swap3A_231 = tpu.vector_load %arg10[%swap3A_230] masked %lt3A_154 {strides = array<i32>} : memref<192xi32, #tpu.memory_space<vmem>>, vector<16xi32>, vector<16xi1>
          tpu.vector_store %arg10[%swap3A_230], %add3A_229 masked %lt3A_154 {strides = array<i32>} : memref<192xi32, #tpu.memory_space<vmem>>, vector<16xi32>, vector<16xi1>
          %add3A_232 = arith.constant 96 : i32
          %add3A_233 = arith.addi %while3A_77, %add3A_232 : i32
          %add3A_234 = vector.broadcast %add3A_233 : i32 to vector<16xi32>
          %add3A_235 = arith.addi %add3A_234, %iota3A : vector<16xi32>
          %swap3A_236 = arith.index_cast %add3A_193 : i32 to index
          %swap3A_237 = tpu.vector_load %arg10[%swap3A_236] masked %lt3A_159 {strides = array<i32>} : memref<192xi32, #tpu.memory_space<vmem>>, vector<16xi32>, vector<16xi1>
          tpu.vector_store %arg10[%swap3A_236], %add3A_235 masked %lt3A_159 {strides = array<i32>} : memref<192xi32, #tpu.memory_space<vmem>>, vector<16xi32>, vector<16xi1>
          %add3A_238 = arith.constant 112 : i32
          %add3A_239 = arith.addi %while3A_77, %add3A_238 : i32
          %add3A_240 = vector.broadcast %add3A_239 : i32 to vector<16xi32>
          %add3A_241 = arith.addi %add3A_240, %iota3A : vector<16xi32>
          %swap3A_242 = arith.index_cast %add3A_194 : i32 to index
          %swap3A_243 = tpu.vector_load %arg10[%swap3A_242] masked %lt3A_164 {strides = array<i32>} : memref<192xi32, #tpu.memory_space<vmem>>, vector<16xi32>, vector<16xi1>
          tpu.vector_store %arg10[%swap3A_242], %add3A_241 masked %lt3A_164 {strides = array<i32>} : memref<192xi32, #tpu.memory_space<vmem>>, vector<16xi32>, vector<16xi1>
          %add3A_244 = arith.constant 128 : i32
          %add3A_245 = arith.addi %while3A_77, %add3A_244 : i32
          scf.yield %add3A_245, %add3A_195 : i32, i32
        }
        %get3A = arith.constant 0 : index
        %get3A_28 = tpu.vector_load %arg10[%get3A] {strides = array<i32>} : memref<192xi32, #tpu.memory_space<vmem>>, vector<16xi32>,
        %get3A_29 = arith.constant 16 : index
        %get3A_30 = tpu.vector_load %arg10[%get3A_29] {strides = array<i32>} : memref<192xi32, #tpu.memory_space<vmem>>, vector<16xi32>,
        %get3A_31 = arith.constant 32 : index
        %get3A_32 = tpu.vector_load %arg10[%get3A_31] {strides = array<i32>} : memref<192xi32, #tpu.memory_space<vmem>>, vector<16xi32>,
        %get3A_33 = arith.constant 48 : index
        %get3A_34 = tpu.vector_load %arg10[%get3A_33] {strides = array<i32>} : memref<192xi32, #tpu.memory_space<vmem>>, vector<16xi32>,
        %slice3A = vector.extract_strided_slice %get3A_28 {offsets = [0], sizes = [1], strides = [1]} : vector<16xi32> to vector<1xi32>
        %squeeze3A = vector.extract %slice3A[0] : i32 from vector<1xi32>
        %broadcast_in_dim3A_35 = vector.broadcast %while3A_27#1 : i32 to vector<16xi32>
        %gt3A = arith.constant 0 : i32
        %gt3A_36 = vector.broadcast %gt3A : i32 to vector<16xi32>
        %gt3A_37 = arith.cmpi sgt, %broadcast_in_dim3A_35, %gt3A_36 : vector<16xi32>
        %broadcast_in_dim3A_38 = vector.broadcast %squeeze3A : i32 to vector<16xi32>
        %jit3A = arith.constant 0 : i32
        %broadcast_in_dim3A_39 = vector.broadcast %jit3A : i32 to vector<16xi32>
        %select_n3A = arith.select %gt3A_37, %broadcast_in_dim3A_38, %broadcast_in_dim3A_39 : vector<16xi1>, vector<16xi32>
        %add3A_40 = arith.constant 0 : i32
        %add3A_41 = vector.broadcast %add3A_40 : i32 to vector<16xi32>
        %add3A_42 = arith.addi %iota3A, %add3A_41 : vector<16xi32>
        %lt3A = arith.cmpi slt, %add3A_42, %broadcast_in_dim3A_35 : vector<16xi32>
        %select_n3A_43 = arith.select %lt3A, %get3A_28, %select_n3A : vector<16xi1>, vector<16xi32>
        %swap3A = arith.index_cast %add3A_19 : i32 to index
        %swap3A_44 = arith.constant 0 : index
        %swap3A_45 = tpu.vector_load %arg8[%swap3A, %swap3A_44] {strides = array<i32>} : memref<8x64xi32, #tpu.memory_space<vmem>>, vector<16xi32>,
        tpu.vector_store %arg8[%swap3A, %swap3A_44], %select_n3A_43 {strides = array<i32>} : memref<8x64xi32, #tpu.memory_space<vmem>>, vector<16xi32>,
        %add3A_46 = arith.constant 16 : i32
        %add3A_47 = vector.broadcast %add3A_46 : i32 to vector<16xi32>
        %add3A_48 = arith.addi %iota3A, %add3A_47 : vector<16xi32>
        %lt3A_49 = arith.cmpi slt, %add3A_48, %broadcast_in_dim3A_35 : vector<16xi32>
        %select_n3A_50 = arith.select %lt3A_49, %get3A_30, %select_n3A : vector<16xi1>, vector<16xi32>
        %swap3A_51 = arith.index_cast %add3A_19 : i32 to index
        %swap3A_52 = arith.constant 16 : index
        %swap3A_53 = tpu.vector_load %arg8[%swap3A_51, %swap3A_52] {strides = array<i32>} : memref<8x64xi32, #tpu.memory_space<vmem>>, vector<16xi32>,
        tpu.vector_store %arg8[%swap3A_51, %swap3A_52], %select_n3A_50 {strides = array<i32>} : memref<8x64xi32, #tpu.memory_space<vmem>>, vector<16xi32>,
        %add3A_54 = arith.constant 32 : i32
        %add3A_55 = vector.broadcast %add3A_54 : i32 to vector<16xi32>
        %add3A_56 = arith.addi %iota3A, %add3A_55 : vector<16xi32>
        %lt3A_57 = arith.cmpi slt, %add3A_56, %broadcast_in_dim3A_35 : vector<16xi32>
        %select_n3A_58 = arith.select %lt3A_57, %get3A_32, %select_n3A : vector<16xi1>, vector<16xi32>
        %swap3A_59 = arith.index_cast %add3A_19 : i32 to index
        %swap3A_60 = arith.constant 32 : index
        %swap3A_61 = tpu.vector_load %arg8[%swap3A_59, %swap3A_60] {strides = array<i32>} : memref<8x64xi32, #tpu.memory_space<vmem>>, vector<16xi32>,
        tpu.vector_store %arg8[%swap3A_59, %swap3A_60], %select_n3A_58 {strides = array<i32>} : memref<8x64xi32, #tpu.memory_space<vmem>>, vector<16xi32>,
        %add3A_62 = arith.constant 48 : i32
        %add3A_63 = vector.broadcast %add3A_62 : i32 to vector<16xi32>
        %add3A_64 = arith.addi %iota3A, %add3A_63 : vector<16xi32>
        %lt3A_65 = arith.cmpi slt, %add3A_64, %broadcast_in_dim3A_35 : vector<16xi32>
        %select_n3A_66 = arith.select %lt3A_65, %get3A_34, %select_n3A : vector<16xi1>, vector<16xi32>
        %swap3A_67 = arith.index_cast %add3A_19 : i32 to index
        %swap3A_68 = arith.constant 48 : index
        %swap3A_69 = tpu.vector_load %arg8[%swap3A_67, %swap3A_68] {strides = array<i32>} : memref<8x64xi32, #tpu.memory_space<vmem>>, vector<16xi32>,
        tpu.vector_store %arg8[%swap3A_67, %swap3A_68], %select_n3A_66 {strides = array<i32>} : memref<8x64xi32, #tpu.memory_space<vmem>>, vector<16xi32>,
        %min3A = arith.constant 64 : i32
        %min3A_70 = arith.minsi %while3A_27#1, %min3A : i32
        %broadcast_in_dim3A_71 = vector.broadcast %min3A_70 : i32 to vector<16xi32>
        %add3A_72 = vector.broadcast %add3A_19 : i32 to vector<16xi32>
        %add3A_73 = arith.addi %broadcast_in_dim3A_2, %add3A_72 : vector<16xi32>
        %eq3A_74 = arith.constant 0 : i32
        %eq3A_75 = vector.broadcast %eq3A_74 : i32 to vector<16xi32>
        %eq3A_76 = arith.cmpi eq, %iota3A, %eq3A_75 : vector<16xi32>
        tpu.vector_store_idx %arg9[%add3A_73], %broadcast_in_dim3A_71 masked %eq3A_76 : memref<8xi32, #tpu.memory_space<vmem>>[vector<16xi32>], vector<16xi32>, vector<16xi1>
      }
      %scan3A_10 = arith.constant 8 : i32
      %mul3A = arith.constant 8 : i32
      %mul3A_11 = arith.muli %while3A_6, %mul3A : i32
      "tpu.region"() ({
        %run_scoped3A = tpu.sem_alloc : memref<!tpu.dma_semaphore, #tpu.memory_space<semaphore_mem>>
        %dma_start3A = arith.constant 0 : i32
        %dma_start3A_16 = tpu.memref_slice %arg4[%arg0, %mul3A_11, %dma_start3A] : memref<2x2048x64xi32, #tpu.memory_space<hbm>> -> memref<1x8x64xi32, #tpu.memory_space<hbm>>
        %dma_start3A_17 = tpu.memref_squeeze %dma_start3A_16 : memref<1x8x64xi32, #tpu.memory_space<hbm>> -> memref<8x64xi32, #tpu.memory_space<hbm>>
        %dma_start3A_18 = arith.constant 0 : i32
        %dma_start3A_19 = tpu.memref_slice %arg4[%arg0, %mul3A_11, %dma_start3A_18] : memref<2x2048x64xi32, #tpu.memory_space<hbm>> -> memref<1x8x64xi32, #tpu.memory_space<hbm>>
        %dma_start3A_20 = tpu.memref_squeeze %dma_start3A_19 : memref<1x8x64xi32, #tpu.memory_space<hbm>> -> memref<8x64xi32, #tpu.memory_space<hbm>>
        tpu.enqueue_dma source(%arg8 : memref<8x64xi32, #tpu.memory_space<vmem>>) target(%dma_start3A_20 : memref<8x64xi32, #tpu.memory_space<hbm>>) target_semaphore(%run_scoped3A : memref<!tpu.dma_semaphore, #tpu.memory_space<semaphore_mem>>)
        %dma_wait3A = arith.constant 0 : i32
        %dma_wait3A_21 = tpu.memref_slice %arg4[%arg0, %mul3A_11, %dma_wait3A] : memref<2x2048x64xi32, #tpu.memory_space<hbm>> -> memref<1x8x64xi32, #tpu.memory_space<hbm>>
        %dma_wait3A_22 = tpu.memref_squeeze %dma_wait3A_21 : memref<1x8x64xi32, #tpu.memory_space<hbm>> -> memref<8x64xi32, #tpu.memory_space<hbm>>
        %dma_wait3A_23 = arith.constant 0 : i32
        %dma_wait3A_24 = tpu.memref_slice %arg4[%arg0, %mul3A_11, %dma_wait3A_23] : memref<2x2048x64xi32, #tpu.memory_space<hbm>> -> memref<1x8x64xi32, #tpu.memory_space<hbm>>
        %dma_wait3A_25 = tpu.memref_squeeze %dma_wait3A_24 : memref<1x8x64xi32, #tpu.memory_space<hbm>> -> memref<8x64xi32, #tpu.memory_space<hbm>>
        tpu.wait_dma2 semaphore(%run_scoped3A : memref<!tpu.dma_semaphore, #tpu.memory_space<semaphore_mem>>) src(%arg8 : memref<8x64xi32, #tpu.memory_space<vmem>>) dst(%dma_wait3A_25 : memref<8x64xi32, #tpu.memory_space<hbm>>)
        tpu.yield
      }) : () -> ()
      "tpu.region"() ({
        %run_scoped3A = tpu.sem_alloc : memref<!tpu.dma_semaphore, #tpu.memory_space<semaphore_mem>>
        %dma_start3A = tpu.memref_slice %arg5[%arg0, %mul3A_11] : memref<2x2048xi32, #tpu.memory_space<hbm>> -> memref<1x8xi32, #tpu.memory_space<hbm>>
        %dma_start3A_16 = tpu.memref_squeeze %dma_start3A : memref<1x8xi32, #tpu.memory_space<hbm>> -> memref<8xi32, #tpu.memory_space<hbm>>
        %dma_start3A_17 = tpu.memref_slice %arg5[%arg0, %mul3A_11] : memref<2x2048xi32, #tpu.memory_space<hbm>> -> memref<1x8xi32, #tpu.memory_space<hbm>>
        %dma_start3A_18 = tpu.memref_squeeze %dma_start3A_17 : memref<1x8xi32, #tpu.memory_space<hbm>> -> memref<8xi32, #tpu.memory_space<hbm>>
        tpu.enqueue_dma source(%arg9 : memref<8xi32, #tpu.memory_space<vmem>>) target(%dma_start3A_18 : memref<8xi32, #tpu.memory_space<hbm>>) target_semaphore(%run_scoped3A : memref<!tpu.dma_semaphore, #tpu.memory_space<semaphore_mem>>)
        %dma_wait3A = tpu.memref_slice %arg5[%arg0, %mul3A_11] : memref<2x2048xi32, #tpu.memory_space<hbm>> -> memref<1x8xi32, #tpu.memory_space<hbm>>
        %dma_wait3A_19 = tpu.memref_squeeze %dma_wait3A : memref<1x8xi32, #tpu.memory_space<hbm>> -> memref<8xi32, #tpu.memory_space<hbm>>
        %dma_wait3A_20 = tpu.memref_slice %arg5[%arg0, %mul3A_11] : memref<2x2048xi32, #tpu.memory_space<hbm>> -> memref<1x8xi32, #tpu.memory_space<hbm>>
        %dma_wait3A_21 = tpu.memref_squeeze %dma_wait3A_20 : memref<1x8xi32, #tpu.memory_space<hbm>> -> memref<8xi32, #tpu.memory_space<hbm>>
        tpu.wait_dma2 semaphore(%run_scoped3A : memref<!tpu.dma_semaphore, #tpu.memory_space<semaphore_mem>>) src(%arg9 : memref<8xi32, #tpu.memory_space<vmem>>) dst(%dma_wait3A_21 : memref<8xi32, #tpu.memory_space<hbm>>)
        tpu.yield
      }) : () -> ()
      %sc_fetch_and_add3A_12 = arith.constant 1 : i32
      %sc_fetch_and_add3A_13 = arith.constant 0 : i32
      %sc_fetch_and_add3A_14 = arith.constant 0 : i32
      %sc_fetch_and_add3A_15 = tpu.fetch_and_add_sync %arg11[%sc_fetch_and_add3A_13], %sc_fetch_and_add3A_12, %sc_fetch_and_add3A_14 : memref<1xi32, #tpu.memory_space<smem>>, i32 -> i32
      scf.yield %sc_fetch_and_add3A_15 : i32
    }
    return
  }
}

</mosaic_0001>

<sc_bundles>
// kernel: kernel.3.cloned.1.call-start
scs
__scs_entry_jumppad:
0x0: {  	(pc) =	sbr.rel $0x88, $3  }
0x1: {  	(tag) =	ssettag $0x0;
	lr =	simm.s32 $0x1  }
0x2: {  	[smem:$0x3F9F] =	sst lr;
	_ =	strace $0xD0000000  }
0x3: {  	_ = 	snop  }
0x4: {  	_ = 	snop  }
0x5: {  	_ = 	snop  }
0x6: {  	_ = 	snop  }
0x7: {  	_ = 	snop  }
__scs_overlays_trampoline_lowered:
0x8: {  	[smem:$0x3FAE] =	sst s0  }
0x9: {  	[smem:$0x3FAF] =	sst s1  }
0xa: {  	[smem:$0x3FB0] =	sst s2  }
0xb: {  	[smem:$0x3FB1] =	sst s3  }
0xc: {  	[smem:$0x3FB2] =	sst s4  }
0xd: {  	[smem:$0x3FB3] =	sst s5  }
0xe: {  	[smem:$0x3FB4] =	sst s6  }
0xf: {  	[smem:$0x3FB5] =	sst s7  }
0x10: {  	[smem:$0x3FB6] =	sst s8  }
0x11: {  	[smem:$0x3FB7] =	sst s9;
	s0 =	simm.s32 @!p0 $0x0  }
0x12: {  	s1 =	sld [smem:$0x3F9D];
	s0 =	simm.s32 @p0 $0x1  }
0x13: {  	[smem:$0x3FB8] =	sst s0;
	s0 =	simm.s32 @!p1 $0x0  }
0x14: {  	s2 =	sld [smem:$0x3F9C];
	s0 =	simm.s32 @p1 $0x1  }
0x15: {  	[smem:$0x3FB9] =	sst s0;
	s0 =	simm.s32 @!p2 $0x0  }
0x16: {  	s3 =	sld [smem:$0x3FDB];
	s0 =	simm.s32 @p2 $0x1  }
0x17: {  	s4 =	simm.s32 $0x1BF5;
	[smem:$0x3FBB] =	sst s0  }
0x18: {  	s0 =	sld [smem:$0x3F9E];
	_ =	swait.ge [sflag:s4], $0x0  }
0x19: {  	s7 =	sld [smem:$0x3F9F]  }
0x1a: {  	s8 =	sadd.s32 $0xFFFFE003, lr  }
0x1b: {  	s9 =	sadd.s32 $0xFFFFFEF7, lr;
	s5 =	simm.s32 $0xFFFFFFFF;
	p2 =	slt.u32 s8, $0xFFFFF086  }
0x1c: {  	p1 =	slt.u32 s9, $0xF7A;
	s5 =	simm.s32 @!p2 $0x0  }
0x1d: {  	s5 =	simm.s32 @p1 $0x1;
	p0 =	seq.s32 s7, s2  }
0x1e: {  	s7 =	smul.u32 @!p0 $0xF7A, s2;
	p2 =	seq.s32 @!p0 s5, $0x0  }
0x1f: {  	s9 =	smul.u32 $0xF7A, s1;
	s8 =	simm.s32 @!p0 $0x1BF5;
	p2 =	por !p2, p0  }
0x20: {  	[sflag:s8] =	ssyncset.s32 @!p0 $0xFFFFF086;
	s6 =	sadd.s32 @!p0 s3, s7;
	s7 =	simm.s32 @!p0 $0x108  }
0x21: {  	s3 =	sadd.s32 s3, s9;
	s6 =	sadd.s32 @!p0 $0x88, s6;
	s7 =	simm.s32 @p2 $0x1082  }
0x22: {  	[simem:s7], [sflag:s8] =	dma.local @!p0 [hbm:s6], $0xF7A  }
0x23: {  	s9 =	sor.u32 $0xD0000000, s2;
	s6 =	simm.s32 $0x108;
	_ =	swait.ge @!p0 [sflag:s8], $0x0  }
0x24: {  	s3 =	sadd.s32 $0x88, s3;
	s6 =	simm.s32 @!p1 $0x1082;
	[sflag:s4] =	ssyncset.s32 $0xFFFFF086  }
0x25: {  	[simem:s6], [sflag:s4] =	dma.local [hbm:s3], $0xF7A  }
0x26: {  	[smem:$0x3F9F] =	sst s1;
	(tag) =	ssettag s2;
	_ =	strace s9  }
0x27: {  	s1 =	sld [smem:$0x3FAF]  }
0x28: {  	s2 =	sld [smem:$0x3FB0]  }
0x29: {  	s4 =	sld [smem:$0x3FB2]  }
0x2a: {  	p0 =	seq.s32 s5, $0x0;
	s5 =	sld [smem:$0x3FB3]  }
0x2b: {  	s6 =	sld [smem:$0x3FB4]  }
0x2c: {  	s7 =	sld [smem:$0x3FB5]  }
0x2d: {  	s3 =	simm.s32 $0x108;
	s8 =	sld [smem:$0x3FB6]  }
0x2e: {  	s3 =	simm.s32 @!p0 $0x1082;
	s9 =	sld [smem:$0x3FB7]  }
0x2f: {  	lr =	sadd.s32 s0, s3;
	s0 =	sld [smem:$0x3FAE]  }
0x30: {  	s3 =	sld [smem:$0x3FB1]  }
0x31: {  	[smem:$0x3FBA] =	sst s10  }
0x32: {  	s10 =	sld [smem:$0x3FB8];
	_ =	sdelay $0x3  }
0x33: {  	p0 =	seq.s32 s10, $0x1;
	s10 =	sld [smem:$0x3FBA];
	_ =	sdelay $0x3  }
0x34: {  	[smem:$0x3FBA] =	sst s10  }
0x35: {  	s10 =	sld [smem:$0x3FB9];
	_ =	sdelay $0x3  }
0x36: {  	p1 =	seq.s32 s10, $0x1;
	s10 =	sld [smem:$0x3FBA];
	_ =	sdelay $0x3  }
0x37: {  	[smem:$0x3FBA] =	sst s10  }
0x38: {  	s10 =	sld [smem:$0x3FBB]  }
0x39: {  	_ = 	snop;
	(pc) =	sbr.ind lr, $3  }
0x3a: {  	_ = 	snop  }
0x3b: {  	_ = 	snop  }
0x3c: {  	p2 =	seq.s32 s10, $0x1;
	s10 =	sld [smem:$0x3FBA]  }
0x3d: {  	_ =	shalt  }
0x3e: {  	_ =	shalt  }
0x3f: {  	_ =	shalt  }
0x40: {  	_ =	shalt  }
0x41: {  	_ =	shalt  }
0x42: {  	_ =	shalt  }
0x43: {  	_ =	shalt  }
0x44: {  	_ =	shalt  }
0x45: {  	_ =	shalt  }
0x46: {  	_ =	shalt  }
0x47: {  	_ =	shalt  }
0x48: {  	_ =	shalt  }
0x49: {  	_ =	shalt  }
0x4a: {  	_ =	shalt  }
0x4b: {  	_ =	shalt  }
0x4c: {  	_ =	shalt  }
0x4d: {  	_ =	shalt  }
0x4e: {  	_ =	shalt  }
0x4f: {  	_ =	shalt  }
0x50: {  	_ =	shalt  }
0x51: {  	_ =	shalt  }
0x52: {  	_ =	shalt  }
0x53: {  	_ =	shalt  }
0x54: {  	_ =	shalt  }
0x55: {  	_ =	shalt  }
0x56: {  	_ =	shalt  }
0x57: {  	_ =	shalt  }
0x58: {  	_ =	shalt  }
0x59: {  	_ =	shalt  }
0x5a: {  	_ =	shalt  }
0x5b: {  	_ =	shalt  }
0x5c: {  	_ =	shalt  }
0x5d: {  	_ =	shalt  }
0x5e: {  	_ =	shalt  }
0x5f: {  	_ =	shalt  }
0x60: {  	_ =	shalt  }
0x61: {  	_ =	shalt  }
0x62: {  	_ =	shalt  }
0x63: {  	_ =	shalt  }
0x64: {  	_ =	shalt  }
0x65: {  	_ =	shalt  }
0x66: {  	_ =	shalt  }
0x67: {  	_ =	shalt  }
0x68: {  	_ =	shalt  }
0x69: {  	_ =	shalt  }
0x6a: {  	_ =	shalt  }
0x6b: {  	_ =	shalt  }
0x6c: {  	_ =	shalt  }
0x6d: {  	_ =	shalt  }
0x6e: {  	_ =	shalt  }
0x6f: {  	_ =	shalt  }
0x70: {  	_ =	shalt  }
0x71: {  	_ =	shalt  }
0x72: {  	_ =	shalt  }
0x73: {  	_ =	shalt  }
0x74: {  	_ =	shalt  }
0x75: {  	_ =	shalt  }
0x76: {  	_ =	shalt  }
0x77: {  	_ =	shalt  }
0x78: {  	_ =	shalt  }
0x79: {  	_ =	shalt  }
0x7a: {  	_ =	shalt  }
0x7b: {  	_ =	shalt  }
0x7c: {  	_ =	shalt  }
0x7d: {  	_ =	shalt  }
0x7e: {  	_ =	shalt  }
0x7f: {  	_ =	shalt  }
0x80: {  	_ =	shalt  }
0x81: {  	_ =	shalt  }
0x82: {  	_ =	shalt  }
0x83: {  	_ =	shalt  }
0x84: {  	_ =	shalt  }
0x85: {  	_ =	shalt  }
0x86: {  	_ =	shalt  }
0x87: {  	_ =	shalt  }
.Lfunc_end0:
.L_simem_size_0:
called_computation_lowered:
.L_overlay_start_0:
0x88: {  	s2 =	sld [smem:$0x3FD9]  }
0x89: {  	s3 =	sld [smem:$0x3FFE];
	_ =	sdelay $0x1  }
0x8a: {  	s1 =	srdreg.scid  }
0x8b: {  	s0 =	sand.u32 $0x1, s1  }
0x8c: {  	s14 =	sshll.u32 s0, $0xA;
	s2 =	sadd.s32 s3, s2  }
0x8d: {  	s2 =	sadd.s32 s2, s14  }
0x8e: {  	[smem:$0x3FC6] =	sst s2  }
0x8f: {  	_ = 	snop  }
0x90: {  	s2 =	sld [smem:$0x3FD0];
	_ =	sdelay $0x2  }
0x91: {  	s15 =	simm.s32 $0xA;
	s4 =	simm.s32 $0x10  }
0x92: {  	[smem:s4], [sflag:s15] =	dma.local [hbm:s2], $0x1  }
0x93: {  	_ =	swait.eq [sflag:s15], $0x1  }
0x94: {  	[sflag:s15] =	ssyncset.done $0x0  }
0x95: {  	s16 =	sld [smem:$0x10];
	[sflag:s15] =	ssyncadd.s32 $0xFFFFFFFF  }
0x96: {  	s17 =	sld [smem:$0x11];
	(tm) =	ssettm $0x1  }
0x97: {  	s18 =	sld [smem:$0x3FFB];
	_ =	sdelay $0x3  }
0x98: {  	_ =	strace s18  }
0x99: {  	s4 =	sld [smem:$0x3FFC];
	_ =	sdelay $0x3  }
0x9a: {  	_ =	strace s4  }
0x9b: {  	s4 =	sld [smem:$0x3FFD];
	_ =	sdelay $0x3  }
0x9c: {  	_ =	strace s4  }
0x9d: {  	_ =	strace $0x8FFFFFFF  }
0x9e: {  	s19 =	sld [smem:$0x3FDB];
	_ =	sdelay $0x1  }
0x9f: {  	s5 =	simm.s32 $_scs_section_size  }
0xa0: {  	s6 =	simm.s32 $_size__tile_overlayer_lowered;
	s7 =	simm.s32 $_tile_overlayer_lowered  }
0xa1: {  	s22 =	simm.s32 $0x1BFF;
	s21 =	sshll.u32 s7, $0x1;
	s4 =	sadd.s32 s5, s19  }
0xa2: {  	s8 =	simm.s32 $0x0;
	s20 =	sshll.u32 s6, $0x1;
	s6 =	sadd.s32 s21, s4  }
0xa3: {  	[timem:s8], [sflag:s22] =	dma.local [hbm:s6], s20  }
0xa4: {  	_ =	swait.ge [sflag:s22], s20  }
0xa5: {  	s5 =	ssub.s32 $0x0, s20;
	[sflag:s22] =	ssyncset.done $0x0  }
0xa6: {  	[sflag:s22] =	ssyncadd.s32 s5;
	_ =	sdelay $0x1  }
0xa7: {  	s23 =	simm.s32 $0x1B8B  }
0xa8: {  	_ =	swait.ge [sflag:s23], $0x1  }
0xa9: {  	[sflag:s23] =	ssyncset.done $0x0  }
0xaa: {  	s25 =	simm.s32 $0x1B8E;
	s24 =	sld [smem:$0x3FFE];
	[sflag:s23] =	ssyncadd.s32 $0xFFFFFFFF  }
0xab: {  	s26 =	simm.s32 $execute0_lowered;
	[smem:$0x3FD2] =	sst s25  }
0xac: {  	s6 =	sshll.u32 s26, $0x1;
	_ =	strace $0x80000046;
	[dreg:$0x1] =	wrdreg $0xFFFFFFFF  }
0xad: {  	s28 =	simm.s32 $_size_execute0_lowered;
	s4 =	sadd.s32 s4, s6;
	[dreg:$0x0] =	wrdreg $0x0  }
0xae: {  	s6 =	sshll.u32 s28, $0x1;
	[dreg:$0x2] =	wrdreg s4  }
0xaf: {  	[dreg:$0x3] =	wrdreg s6  }
0xb0: {  	[dreg:$0x4] =	wrdreg $0xC0  }
0xb1: {  	_ =	task [dreg:s8], $0x5FFFF  }
0xb2: {  	[dreg:$0x1] =	wrdreg $0xFFFFFFFF  }
0xb3: {  	[dreg:$0x0] =	wrdreg $0x60  }
0xb4: {  	[dreg:$0x2] =	wrdreg s16  }
0xb5: {  	[dreg:$0x3] =	wrdreg s24  }
0xb6: {  	[dreg:$0x4] =	wrdreg s17  }
0xb7: {  	[dreg:$0x5] =	wrdreg $0x9  }
0xb8: {  	_ =	task.clear_ibuf [dreg:s8], $0x6FFFF;
	_ =	strace $0x90000046  }
0xb9: {  	s29 =	simm.s32 $0x9;
	_ =	strace $0x80000048  }
0xba: {  	_ =	swait.ge [sflag:s29], $0x1  }
0xbb: {  	[sflag:s29] =	ssyncadd.s32 $0xFFFFFFFF  }
0xbc: {  	_ =	strace $0x90000048  }
0xbd: {  	_ =	sfence  }
0xbe: {  	s30 =	sld [smem:$0x0];
	_ =	sdelay $0x2  }
0xbf: {  	s31 =	sshll.u32 s1, $0xD;
	s1 =	sshrl.u32 s1, $0x2  }
0xc0: {  	s3 =	sand.u32 $0x4000, s31;
	s1 =	sadd.s32 s1, s30  }
0xc1: {  	s0 =	sor.u32 s3, s0;
	s1 =	sshll.u32 s1, $0x11  }
0xc2: {  	s0 =	sor.u32 s1, s0  }
0xc3: {  	s0 =	sadd.s32 $0x8F2B, s0  }
0xc4: {  	[sflag:s0] =	ssyncadd.remote.s32 $0x1  }
0xc5: {  	_ =	sfence.sel $0xFFFF  }
0xc6: {  	[dreg:$0x0] =	wrdreg $0xFFFFFFFF;
	(pc) =	sbr.abs _section_cstart, $3  }
0xc7: {  	[dreg:$0x1] =	wrdreg $0xFFFFFFFF  }
0xc8: {  	_ =	task.clear_ibuf [dreg:s8], $0x2FFFF;
	_ =	strace $0x9FFFFFFF  }
0xc9: {  	(tm) =	ssettm $0x7FFFFFFF  }
tec
execute0_lowered:
.L_overlay_start_1:
0x0: {  	(tag) =	ssettag $0x1  }
0x1: {  	s4 =	rddreg [dreg:$0x0]  }
0x2: {  	s3 =	rddreg [dreg:$0x1]  }
0x3: {  	s1 =	rddreg [dreg:$0x2];
	s5 =	srdreg.scid  }
0x4: {  	s0 =	rddreg [dreg:$0x3];
	s2 =	simm.s32 $0x0;
	s10 =	stileid.u32  }
0x5: {  	s11 =	simm.s32 $0x3;
	s12 =	simm.s32 $0x2000;
	s13 =	simm.s32 $0x1  }
0x6: {  	s14 =	simm.s32 $0x2C00;
	s15 =	simm.s32 $0x2800;
	s16 =	simm.s32 $0x2  }
0x7: {  	s17 =	simm.s32 $0x0;
	s7 =	sand.u32 $0x1, s5;
	[smem:$0x7FF] =	sst s2  }
0x8: {  	p0 =	sne.s32 s10, $0x0;
	s10 =	simm.s32 $0x200;
	s5 =	sshll.u32 s7, $0xA  }
.Ltmp0:
0x9: {  	_ =	strace $0x80000047;
	s6 =	ssub.s32 $0x2, s7;
	(pc) =	sbr.rel .LBB2_1-.Ltmp0, $4  }
0xa: {  	s9 =	sshll.u32 s7, $0xC;
	s5 =	sadd.s32 s5, s3;
	s3 =	sadd.s32 $0x1000, s3  }
0xb: {  	s8 =	sshrl.u32 s6, $0x1;
	s4 =	sadd.s32 s9, s4;
	s9 =	simm.s32 $0x80  }
0xc: {  	v0 =	vlaneseq.u32;
	s8 =	ssub.s32 s6, s8;
	s4 =	sadd.s32 $0x20, s4;
	s5 =	sadd.s32 $0x820, s5  }
0xd: {  	v1 =	vor.u32 $0x10, v0;
	v2 =	vor.u32 $0x20, v0;
	v3 =	vor.u32 $0x30, v0;
	s6 =	sshll.u32 s7, $0x12;
	s7 =	sshll.u32 s7, $0x7;
	s8 =	smax.u32 s8, $0x1  }
.LBB2_7:
0xe: {  	s17 =	sadd.s32 $0x1, s17  }
0xf: {  	p1 =	sne.s32 s17, s8  }
.Ltmp1:
0x10: {  	_ = 	snop;
	(pc) =	sbr.rel @!p1 .LBB2_8-.Ltmp1, $1  }
0x11: {  	_ =	sdelay $0x3  }
.LBB2_1:
0x12: {  	[tilespmem:s2], [sflag:$0x3] =	stream.strided.gather [hbm4b:s4+s9], $0x2000, s10, s9, $0x38;
	[tilespmem:$0x2D80] =	vst v63  }
0x13: {  	_ =	swait.ge [sflag:s11], $0x2000  }
0x14: {  	[sflag:s11] =	ssyncset.done $0x0  }
0x15: {  	[sflag:s11] =	ssyncadd.s32 $0xFFFFE000  }
0x16: {  	[tilespmem:s12], [sflag:$0x3] =	stream.strided.gather [hbm4b:s5+s9], $0x800, s10, s9, $0x38;
	[tilespmem:$0x2D80] =	vst v63  }
0x17: {  	_ =	swait.ge [sflag:s11], $0x800  }
0x18: {  	[sflag:s11] =	ssyncset.done $0x0  }
0x19: {  	s18 =	simm.s32 @!p0 $0x0;
	[sflag:s11] =	ssyncadd.s32 $0xFFFFF800  }
0x1a: {  	[smem:$0x0] =	sst @!p0 s18  }
0x1b: {  	[bflag:$0x0] =	sbarrier.arrive $0xFFFF  }
0x1c: {  	[sflag:s13] =	ssyncset.done $0x0  }
0x1d: {  	[smem:s2], [sflag:$0x1] =	smem.add.s32 $0x1  }
0x1e: {  	_ =	swait.done [sflag:s13]  }
0x1f: {  	s18 =	ssyncread [sflag:$0x1];
	_ =	sdelay $0x2  }
0x20: {  	p1 =	sgt.s32 s18, $0xFF  }
.Ltmp2:
0x21: {  	_ = 	snop;
	(pc) =	sbr.rel @p1 .LBB2_7-.Ltmp2, $3  }
0x22: {  	_ =	sdelay $0x1  }
0x23: {  	[sflag:s13] =	ssyncset.s32 $0x0  }
0x24: {  	[sflag:s13] =	ssyncset.done $0x0  }
.LBB2_2:
0x25: {  	s19 =	sshll.u32 s18, $0x3;
	s20 =	simm.s32 $0x0  }
.LBB2_3:
0x26: {  	s21 =	sadd.s32 s19, s20  }
0x27: {  	v4 =	vmov s21;
	_ =	sdelay $0x4  }
0x28: {  	s23 =	simm.s32 $0x0;
	s22 =	simm.s32 $0x0;
	s21 =	simm.s32 $0x40;
	v4 =	vld.idx.msk [tilespmem:v4+s12+$0x0], $0xffff  }
.LBB2_4:
0x29: {  	v5 =	vld [tilespmem:s21+$0xFFFFFFC0]  }
0x2a: {  	v6 =	vld [tilespmem:s21+$0xFFFFFFD0]  }
0x2b: {  	v7 =	vld [tilespmem:s21+$0xFFFFFFE0]  }
0x2c: {  	v8 =	vld [tilespmem:s21+$0xFFFFFFF0]  }
0x2d: {  	v10 =	vld [tilespmem:s21+$0x10];
	_ =	sdelay $0x1  }
0x2e: {  	v9 =	vld [tilespmem:s21+$0x0]  }
0x2f: {  	v11 =	vld [tilespmem:s21+$0x20];
	v5 =	vsub.f32 v5, v4;
	v6 =	vsub.f32 v6, v4  }
0x30: {  	v7 =	vsub.f32 v7, v4;
	v8 =	vsub.f32 v8, v4  }
0x31: {  	v60 =	vsub.f32 v10, v4;
	v5 =	vand.u32 $0x7FFFFFFF, v5  }
0x32: {  	v6 =	vand.u32 $0x7FFFFFFF, v6;
	v7 =	vand.u32 $0x7FFFFFFF, v7;
	v8 =	vand.u32 $0x7FFFFFFF, v8  }
0x33: {  	vm7 =	vlt.f32 v5, $5.000000000e-01;
	vm4 =	vlt.f32 v6, $5.000000000e-01;
	v5 =	vsub.f32 v9, v4;
	v6 =	vld [tilespmem:s21+$0x30]  }
0x34: {  	v61 =	vsub.f32 v11, v4;
	vm5 =	vlt.f32 v7, $5.000000000e-01;
	vm1 =	vlt.f32 v8, $5.000000000e-01  }
0x35: {  	v7 =	vand.u32 $0x7FFFFFFF, v60;
	v62 =	vmpcnt.ones.xlane vm7;
	v5 =	vand.u32 $0x7FFFFFFF, v5  }
0x36: {  	vm0 =	vlt.f32 v7, $5.000000000e-01;
	vm2 =	vlt.f32 v5, $5.000000000e-01;
	v5 =	vmpcnt.ones.xlane vm4  }
0x37: {  	v7 =	vand.u32 $0x7FFFFFFF, v61;
	v63 =	vmpcnt.ones.xlane vm5;
	(v2sf) =	vpush v62, $0x0  }
0x38: {  	v6 =	vsub.f32 v6, v4;
	(v2sf) =	vpush v5, $0x0;
	v5 =	vmpcnt.ones.xlane vm1  }
0x39: {  	vm3 =	vlt.f32 v7, $5.000000000e-01;
	v7 =	vmpcnt.ones.xlane vm2;
	(v2sf) =	vpush v63, $0x0  }
0x3a: {  	v6 =	vand.u32 $0x7FFFFFFF, v6;
	(v2sf) =	vpush v5, $0x0;
	v5 =	vmpcnt.ones.xlane vm0  }
0x3b: {  	vm6 =	vlt.f32 v6, $5.000000000e-01;
	(v2sf) =	vpush v7, $0x0;
	v6 =	vmpcnt.ones.xlane vm3  }
0x3c: {  	(v2sf) =	vpush v5, $0x0;
	v5 =	vmpcnt.ones.xlane vm6  }
0x3d: {  	(v2sf) =	vpush v6, $0x0  }
0x3e: {  	(v2sf) =	vpush v5, $0x0;
	_ =	sdelay $0x7  }
0x3f: {  	s24 =	spop (v2sf)  }
0x40: {  	s24 =	sadd.s32 s23, s24;
	s25 =	spop (v2sf)  }
0x41: {  	s26 =	spop (v2sf);
	s25 =	sadd.s32 s25, s24  }
0x42: {  	s28 =	spop (v2sf);
	s26 =	sadd.s32 s26, s25  }
0x43: {  	s29 =	sadd.s32 $0x10, s22;
	v5 =	vor.u32 s22, v0;
	s30 =	spop (v2sf);
	s28 =	sadd.s32 s28, s26  }
0x44: {  	s31 =	sadd.s32 $0x20, s22;
	[tilespmem:s23+$0x2C80] =	vst.msk vm7, v5;
	v5 =	vor.u32 s29, v0;
	s29 =	spop (v2sf);
	s30 =	sadd.s32 s30, s28  }
0x45: {  	[tilespmem:s24+$0x2C80] =	vst.msk vm4, v5;
	v5 =	vor.u32 s31, v0;
	s24 =	spop (v2sf);
	s29 =	sadd.s32 s29, s30  }
0x46: {  	[tilespmem:s25+$0x2C80] =	vst.msk vm5, v5;
	s25 =	spop (v2sf);
	s24 =	sadd.s32 s24, s29  }
0x47: {  	p1 =	sgt.u32 s22, $0x1F7F;
	s23 =	sadd.s32 s25, s24  }
0x48: {  	s31 =	sadd.s32 $0x30, s22;
	p2 =	slt.s32 @!p1 s23, $0x40  }
0x49: {  	v5 =	vor.u32 s31, v0;
	s31 =	sadd.s32 $0x40, s22;
	p1 =	por p1, !p2  }
.Ltmp3:
0x4a: {  	[tilespmem:s26+$0x2C80] =	vst.msk vm1, v5;
	v5 =	vor.u32 s31, v0;
	s31 =	sadd.s32 $0x50, s22;
	(pc) =	sbr.rel @!p1 .LBB2_4-.Ltmp3, $4  }
0x4b: {  	[tilespmem:s28+$0x2C80] =	vst.msk vm2, v5;
	v5 =	vor.u32 s31, v0;
	s28 =	sadd.s32 $0x60, s22  }
0x4c: {  	s31 =	sadd.s32 $0x70, s22;
	[tilespmem:s30+$0x2C80] =	vst.msk vm0, v5;
	v5 =	vor.u32 s28, v0  }
0x4d: {  	[tilespmem:s29+$0x2C80] =	vst.msk vm3, v5;
	v5 =	vor.u32 s31, v0  }
0x4e: {  	s21 =	sadd.s32 $0x80, s21;
	s22 =	sadd.s32 $0x80, s22;
	[tilespmem:s24+$0x2C80] =	vst.msk vm6, v5  }
0x4f: {  	v4 =	vld [tilespmem:$0x2C80];
	_ =	sdelay $0x3  }
0x50: {  	v5 =	vld [tilespmem:$0x2C90]  }
0x51: {  	v6 =	vld [tilespmem:$0x2CA0];
	v7 =	vmov s23;
	v8 =	vbroadcast v4, $0x0  }
0x52: {  	v9 =	vld [tilespmem:$0x2CB0];
	vm0 =	vgt.s32 v7, $0x0  }
0x53: {  	s21 =	sshll.u32 s20, $0x7;
	v10 =	vmov s20;
	p1 =	slt.s32 s23, $0x40;
	s20 =	sadd.s32 $0x1, s20;
	vm12 =	vgt.s32 v7, v0;
	v8 =	vnsel vm0, $0x0, v8  }
0x54: {  	s21 =	sand.u32 $0x3FFFFF80, s21;
	vm13 =	vgt.s32 v7, v1;
	s23 =	simm.s32 @!p1 $0x40;
	p1 =	sne.s32 s20, $0x8;
	v4 =	vsel vm12, v4, v8  }
.Ltmp4:
0x55: {  	vm14 =	vgt.s32 v7, v2;
	[tilespmem:s21+$0x2800] =	vst v4;
	v4 =	vsel vm13, v5, v8;
	(pc) =	sbr.rel @p1 .LBB2_3-.Ltmp4, $4  }
0x56: {  	vm15 =	vgt.s32 v7, v3;
	[tilespmem:s21+$0x2810] =	vst v4;
	v4 =	vsel vm14, v6, v8  }
0x57: {  	[tilespmem:s21+$0x2820] =	vst v4;
	v4 =	vsel vm15, v9, v8  }
0x58: {  	[tilespmem:s21+$0x2830] =	vst v4;
	v4 =	vmov s23  }
0x59: {  	[tilespmem:v10+s14+$0x0] =	vst.idx.msk $0x1, v4  }
0x5a: {  	s20 =	sshll.u32 s18, $0xA  }
0x5b: {  	s31 =	sshll.u32 s18, $0x4;
	s20 =	sadd.s32 s6, s20  }
0x5c: {  	s18 =	sand.u32 $0xFFFFFF00, s31;
	s20 =	sshrl.u32 s20, $0x3  }
0x5d: {  	s19 =	sand.u32 $0x78, s19;
	s18 =	sor.u32 s7, s18;
	s20 =	sadd.s32 s3, s20  }
0x5e: {  	[hbm4b:s20+s2] =	stream.linear.scatter [tilespmem:s15], [sflag:$0x3], $0x400, $0x38;
	[tilespmem:$0x2D80] =	vst v63  }
0x5f: {  	s18 =	sor.u32 s19, s18;
	_ =	swait.ge [sflag:s11], $0x400  }
0x60: {  	s18 =	sshrl.u32 s18, $0x3;
	[sflag:s11] =	ssyncset.done $0x0  }
0x61: {  	s18 =	sadd.s32 s1, s18;
	[sflag:s11] =	ssyncadd.s32 $0xFFFFFC00  }
0x62: {  	[hbm4b:s18+s2] =	stream.linear.scatter [tilespmem:s14], [sflag:$0x3], $0x8, $0x38;
	[tilespmem:$0x2D80] =	vst v63  }
0x63: {  	_ =	swait.ge [sflag:s11], $0x8  }
0x64: {  	[sflag:s11] =	ssyncset.done $0x0  }
0x65: {  	[sflag:s11] =	ssyncadd.s32 $0xFFFFFFF8  }
0x66: {  	[sflag:s16] =	ssyncset.done $0x0  }
0x67: {  	[smem:s2], [sflag:$0x2] =	smem.add.s32 $0x1  }
0x68: {  	_ =	swait.done [sflag:s16]  }
0x69: {  	s18 =	ssyncread [sflag:$0x2];
	_ =	sdelay $0x2  }
0x6a: {  	p1 =	slt.s32 s18, $0x100  }
.Ltmp5:
0x6b: {  	_ = 	snop;
	(pc) =	sbr.rel @p1 .LBB2_2-.Ltmp5, $4  }
.Ltmp6:
0x6c: {  	_ = 	snop;
	(pc) =	sbr.rel @!p1 .LBB2_7-.Ltmp6, $4  }
0x6d: {  	_ = 	snop  }
0x6e: {  	[sflag:s16] =	ssyncset.s32 $0x0  }
0x6f: {  	[sflag:s16] =	ssyncset.done $0x0  }
0x70: {  	_ = 	snop  }
.LBB2_8:
0x71: {  	_ =	sfence.sel $0x180000  }
0x72: {  	[bflag:$0x0] =	sbarrier.arrive $0xFFFF  }
0x73: {  	_ =	strace $0x90000047  }
0x74: {  	s0 =	sadd.s32 @!p0 $0x100000, s0;
	[bflag:$0x2] =	sbarrier.arrive $0xFFFF  }
0x75: {  	[sflag:s0] =	ssyncadd.tile.s32 @!p0 $0x1;
	_ =	shalt  }
.Lfunc_end2:
_tile_overlayer_lowered:
.L_overlay_start_2:
0x76: {  	(tag) =	ssettag $0x2  }
0x77: {  	s0 =	rddreg [dreg:$0x0];
	s2 =	stileid.u32  }
0x78: {  	s1 =	rddreg [dreg:$0x1];
	p0 =	sne.s32 s2, $0x0  }
0x79: {  	s3 =	rddreg [dreg:$0x2];
	[bflag:$0x3] =	sbarrier.arrive $0xFFFF;
	s2 =	simm.s32 @!p0 $0x1C01  }
0x7a: {  	[timem:s3], [sflag:s2] =	dma.local @!p0 [hbm:s0], s1  }
0x7b: {  	s0 =	simm.s32 @!p0 $0x1  }
0x7c: {  	_ =	swait.ge @!p0 [sflag:s0], s1  }
0x7d: {  	s1 =	ssub.s32 @!p0 $0x0, s1;
	[sflag:s0] =	ssyncset.done @!p0 $0x0  }
0x7e: {  	[sflag:s0] =	ssyncadd.s32 @!p0 s1  }
0x7f: {  	[bflag:$0x3] =	sbarrier.arrive $0xFFFF  }
0x80: {  	_ =	shalt  }

</sc_bundles>
